<compile_context>
chip_gen: v7x
topology: tpu7x:2x2x1
jax: 0.10.2.dev20260603
libtpu: 0.0.44.dev20260713+nightly
codegen_flags: <defaults>
</compile_context>

<pallas_src>
import jax
import jax.numpy as jnp
from jax import lax
from jax.experimental import pallas as pl
from jax.experimental.pallas import tpu as pltpu
from jax.experimental.pallas import tpu_sc as plsc

_NW = 32
_CH_ROWS = 32


def _sc_body(x_hbm, pe_hbm, out_hbm, pe_buf, x_buf, sem):
    del sem
    wid = lax.axis_index("s") * 2 + lax.axis_index("c")
    total_rows = x_hbm.shape[0]
    pe_rows = pe_hbm.shape[0]
    d = pe_hbm.shape[1]
    batch = total_rows // pe_rows
    w_rows = pe_rows // _NW
    n_chunks = w_rows // _CH_ROWS
    n_vec = _CH_ROWS * d // 16
    vec_per_row = d // 16

    def chunk_body(c, _):
        s0 = wid * w_rows + c * _CH_ROWS
        pltpu.sync_copy(pe_hbm.at[pl.ds(s0, _CH_ROWS)], pe_buf)

        def batch_body(b, _):
            r0 = b * pe_rows + s0
            pltpu.sync_copy(x_hbm.at[pl.ds(r0, _CH_ROWS)], x_buf)

            def add_body(i, _):
                r = lax.div(i, vec_per_row)
                col = lax.rem(i, vec_per_row) * 16
                plsc.addupdate(
                    x_buf.at[r, pl.ds(col, 16)], pe_buf[r, pl.ds(col, 16)]
                )
                return 0

            lax.fori_loop(0, n_vec, add_body, 0)
            pltpu.sync_copy(x_buf, out_hbm.at[pl.ds(r0, _CH_ROWS)])
            return 0

        lax.fori_loop(0, batch, batch_body, 0)
        return 0

    lax.fori_loop(0, n_chunks, chunk_body, 0)


def kernel(x, pe):
    batch, seq_len, d_model = x.shape
    xr = x.reshape(batch * seq_len, d_model)
    mesh = plsc.VectorSubcoreMesh(core_axis_name="c", subcore_axis_name="s")
    run = pl.kernel(
        _sc_body,
        out_type=jax.ShapeDtypeStruct((batch * seq_len, d_model), x.dtype),
        mesh=mesh,
        scratch_types=[
            pltpu.VMEM((_CH_ROWS, d_model), jnp.float32),
            pltpu.VMEM((_CH_ROWS, d_model), jnp.float32),
            pltpu.SemaphoreType.DMA,
        ],
    )
    return run(xr, pe[:seq_len]).reshape(batch, seq_len, d_model)

# --- scband reference (transcript-rebuilt; emitter-appended) ---
"""Pipeline reference for scband-learnable-positional-encoding-40931038331092 (READ-ONLY COPY).

The authoritative reference and input builder live on the scoring server;
editing this copy changes nothing except your own understanding.
"""

import jax, jax.numpy as jnp
import numpy as np

D_MODEL = 1024
MAX_SEQ_LEN = 8192
BATCH = 4
SEQ_LEN = 8192

def setup_inputs(seed: int = 0) -> dict:
    key = jax.random.key(seed)
    k1, k2 = jax.random.split(key)
    x = jax.random.normal(k1, (BATCH, SEQ_LEN, D_MODEL), dtype=jnp.float32)
    pe = jax.random.normal(k2, (MAX_SEQ_LEN, D_MODEL), dtype=jnp.float32) * 0.02
    return {"x": x, "pe": pe}

def reference(x, pe):
    batch_size, seq_len, d_model = x.shape
    # positions: [batch_size, seq_len] (broadcast of arange like torch .expand)
    positions = jnp.broadcast_to(jnp.arange(seq_len), (batch_size, seq_len))
    # embedding lookup: gather rows of pe table
    position_encodings = jnp.take(pe, positions, axis=0)  # [B, S, D]
    out = x + position_encodings
    # dropout is identity in eval/inference mode
    return out

if __name__ == "__main__":
    import jax
    _d = setup_inputs()
    print(jax.jit(kernel)(*tuple(_d.values())))

</pallas_src>

<mosaic_0001>
#map = affine_map<(d0, d1) -> (0, 0)>
module attributes {stable_mosaic.version = 14 : i64} {
  func.func @_sc_body(%arg0: i32, %arg1: i32, %arg2: memref<32768x1024xf32, #tpu.memory_space<hbm>>, %arg3: memref<8192x1024xf32, #tpu.memory_space<hbm>>, %arg4: memref<32768x1024xf32, #tpu.memory_space<hbm>>, %arg5: memref<32x1024xf32, #tpu.memory_space<vmem>>, %arg6: memref<32x1024xf32, #tpu.memory_space<vmem>>, %arg7: memref<!tpu.dma_semaphore, #tpu.memory_space<semaphore_mem>>) attributes {dimension_semantics = [#tpu.dimension_semantics<core_parallel>, #tpu.dimension_semantics<subcore_parallel>], iteration_bounds = array<i64: 2, 16>, scalar_prefetch = 0 : i64, scratch_operands = 3 : i64, tpu.core_type = #tpu.core_type<sc_vector_subcore>, window_params = [{transform_indices = #map}, {transform_indices = #map}, {transform_indices = #map}]} {
    %mul3A = arith.constant 2 : i32
    %mul3A_0 = arith.muli %arg1, %mul3A : i32
    %add3A = arith.addi %mul3A_0, %arg0 : i32
    %scan3A = arith.constant 0 : i32
    %scan3A_1 = arith.constant 0 : i32
    %scan3A_2 = arith.constant 8 : i32
    %scan3A_3 = arith.addi %scan3A_1, %scan3A_2 : i32
    %scan3A_4 = arith.constant 1 : i32
    %scan3A_5 = scf.for %scan3A_7 = %scan3A_1 to %scan3A_3 step %scan3A_4 iter_args(%scan3A_8 = %scan3A) -> (i32)  : i32 {
      %mul3A_9 = arith.constant 256 : i32
      %mul3A_10 = arith.muli %add3A, %mul3A_9 : i32
      %mul3A_11 = arith.constant 32 : i32
      %mul3A_12 = arith.muli %scan3A_7, %mul3A_11 : i32
      %add3A_13 = arith.addi %mul3A_10, %mul3A_12 : i32
      "tpu.region"() ({
        %run_scoped3A = tpu.sem_alloc : memref<!tpu.dma_semaphore, #tpu.memory_space<semaphore_mem>>
        %dma_start3A = arith.constant 0 : i32
        %dma_start3A_22 = tpu.memref_slice %arg3[%add3A_13, %dma_start3A] : memref<8192x1024xf32, #tpu.memory_space<hbm>> -> memref<32x1024xf32, #tpu.memory_space<hbm>>
        %dma_start3A_23 = arith.constant 0 : i32
        %dma_start3A_24 = tpu.memref_slice %arg3[%add3A_13, %dma_start3A_23] : memref<8192x1024xf32, #tpu.memory_space<hbm>> -> memref<32x1024xf32, #tpu.memory_space<hbm>>
        tpu.enqueue_dma source(%dma_start3A_24 : memref<32x1024xf32, #tpu.memory_space<hbm>>) target(%arg5 : memref<32x1024xf32, #tpu.memory_space<vmem>>) target_semaphore(%run_scoped3A : memref<!tpu.dma_semaphore, #tpu.memory_space<semaphore_mem>>)
        %dma_wait3A = arith.constant 0 : i32
        %dma_wait3A_25 = tpu.memref_slice %arg3[%add3A_13, %dma_wait3A] : memref<8192x1024xf32, #tpu.memory_space<hbm>> -> memref<32x1024xf32, #tpu.memory_space<hbm>>
        %dma_wait3A_26 = arith.constant 0 : i32
        %dma_wait3A_27 = tpu.memref_slice %arg3[%add3A_13, %dma_wait3A_26] : memref<8192x1024xf32, #tpu.memory_space<hbm>> -> memref<32x1024xf32, #tpu.memory_space<hbm>>
        tpu.wait_dma2 semaphore(%run_scoped3A : memref<!tpu.dma_semaphore, #tpu.memory_space<semaphore_mem>>) src(%dma_wait3A_27 : memref<32x1024xf32, #tpu.memory_space<hbm>>) dst(%arg5 : memref<32x1024xf32, #tpu.memory_space<vmem>>)
        tpu.yield
      }) : () -> ()
      %scan3A_14 = arith.constant 0 : i32
      %scan3A_15 = arith.constant 0 : i32
      %scan3A_16 = arith.constant 4 : i32
      %scan3A_17 = arith.addi %scan3A_15, %scan3A_16 : i32
      %scan3A_18 = arith.constant 1 : i32
      %scan3A_19 = scf.for %scan3A_22 = %scan3A_15 to %scan3A_17 step %scan3A_18 iter_args(%scan3A_23 = %scan3A_14) -> (i32)  : i32 {
        %mul3A_24 = arith.constant 8192 : i32
        %mul3A_25 = arith.muli %scan3A_22, %mul3A_24 : i32
        %add3A_26 = arith.addi %mul3A_25, %add3A_13 : i32
        "tpu.region"() ({
          %run_scoped3A = tpu.sem_alloc : memref<!tpu.dma_semaphore, #tpu.memory_space<semaphore_mem>>
          %dma_start3A = arith.constant 0 : i32
          %dma_start3A_35 = tpu.memref_slice %arg2[%add3A_26, %dma_start3A] : memref<32768x1024xf32, #tpu.memory_space<hbm>> -> memref<32x1024xf32, #tpu.memory_space<hbm>>
          %dma_start3A_36 = arith.constant 0 : i32
          %dma_start3A_37 = tpu.memref_slice %arg2[%add3A_26, %dma_start3A_36] : memref<32768x1024xf32, #tpu.memory_space<hbm>> -> memref<32x1024xf32, #tpu.memory_space<hbm>>
          tpu.enqueue_dma source(%dma_start3A_37 : memref<32x1024xf32, #tpu.memory_space<hbm>>) target(%arg6 : memref<32x1024xf32, #tpu.memory_space<vmem>>) target_semaphore(%run_scoped3A : memref<!tpu.dma_semaphore, #tpu.memory_space<semaphore_mem>>)
          %dma_wait3A = arith.constant 0 : i32
          %dma_wait3A_38 = tpu.memref_slice %arg2[%add3A_26, %dma_wait3A] : memref<32768x1024xf32, #tpu.memory_space<hbm>> -> memref<32x1024xf32, #tpu.memory_space<hbm>>
          %dma_wait3A_39 = arith.constant 0 : i32
          %dma_wait3A_40 = tpu.memref_slice %arg2[%add3A_26, %dma_wait3A_39] : memref<32768x1024xf32, #tpu.memory_space<hbm>> -> memref<32x1024xf32, #tpu.memory_space<hbm>>
          tpu.wait_dma2 semaphore(%run_scoped3A : memref<!tpu.dma_semaphore, #tpu.memory_space<semaphore_mem>>) src(%dma_wait3A_40 : memref<32x1024xf32, #tpu.memory_space<hbm>>) dst(%arg6 : memref<32x1024xf32, #tpu.memory_space<vmem>>)
          tpu.yield
        }) : () -> ()
        %scan3A_27 = arith.constant 0 : i32
        %scan3A_28 = arith.constant 0 : i32
        %scan3A_29 = arith.constant 2048 : i32
        %scan3A_30 = arith.addi %scan3A_28, %scan3A_29 : i32
        %scan3A_31 = arith.constant 1 : i32
        %scan3A_32 = scf.for %scan3A_35 = %scan3A_28 to %scan3A_30 step %scan3A_31 iter_args(%scan3A_36 = %scan3A_27) -> (i32)  : i32 {
          %div3A = arith.constant 64 : i32
          %div3A_37 = arith.divsi %scan3A_35, %div3A : i32
          %rem3A = arith.constant 64 : i32
          %rem3A_38 = arith.remsi %scan3A_35, %rem3A : i32
          %mul3A_39 = arith.constant 16 : i32
          %mul3A_40 = arith.muli %rem3A_38, %mul3A_39 : i32
          %get3A = arith.index_cast %div3A_37 : i32 to index
          %get3A_41 = arith.index_cast %mul3A_40 : i32 to index
          %get3A_42 = tpu.vector_load %arg5[%get3A, %get3A_41] {strides = array<i32>} : memref<32x1024xf32, #tpu.memory_space<vmem>>, vector<1x16xf32>,
          %get3A_43 = vector.shape_cast %get3A_42 : vector<1x16xf32> to vector<16xf32>
          %swap3A = arith.index_cast %div3A_37 : i32 to index
          %swap3A_44 = arith.index_cast %mul3A_40 : i32 to index
          %swap3A_45 = tpu.vector_load %arg6[%swap3A, %swap3A_44] {strides = array<i32>} : memref<32x1024xf32, #tpu.memory_space<vmem>>, vector<1x16xf32>,
          %swap3A_46 = vector.shape_cast %swap3A_45 : vector<1x16xf32> to vector<16xf32>
          %swap3A_47 = vector.shape_cast %get3A_43 : vector<16xf32> to vector<1x16xf32>
          tpu.vector_store %arg6[%swap3A, %swap3A_44], %swap3A_47 {add = true, strides = array<i32>} : memref<32x1024xf32, #tpu.memory_space<vmem>>, vector<1x16xf32>,
          %scan3A_48 = arith.constant 0 : i32
          scf.yield %scan3A_48 : i32
        }
        %scan3A_33 = arith.constant 2048 : i32
        "tpu.region"() ({
          %run_scoped3A = tpu.sem_alloc : memref<!tpu.dma_semaphore, #tpu.memory_space<semaphore_mem>>
          %dma_start3A = arith.constant 0 : i32
          %dma_start3A_35 = tpu.memref_slice %arg4[%add3A_26, %dma_start3A] : memref<32768x1024xf32, #tpu.memory_space<hbm>> -> memref<32x1024xf32, #tpu.memory_space<hbm>>
          %dma_start3A_36 = arith.constant 0 : i32
          %dma_start3A_37 = tpu.memref_slice %arg4[%add3A_26, %dma_start3A_36] : memref<32768x1024xf32, #tpu.memory_space<hbm>> -> memref<32x1024xf32, #tpu.memory_space<hbm>>
          tpu.enqueue_dma source(%arg6 : memref<32x1024xf32, #tpu.memory_space<vmem>>) target(%dma_start3A_37 : memref<32x1024xf32, #tpu.memory_space<hbm>>) target_semaphore(%run_scoped3A : memref<!tpu.dma_semaphore, #tpu.memory_space<semaphore_mem>>)
          %dma_wait3A = arith.constant 0 : i32
          %dma_wait3A_38 = tpu.memref_slice %arg4[%add3A_26, %dma_wait3A] : memref<32768x1024xf32, #tpu.memory_space<hbm>> -> memref<32x1024xf32, #tpu.memory_space<hbm>>
          %dma_wait3A_39 = arith.constant 0 : i32
          %dma_wait3A_40 = tpu.memref_slice %arg4[%add3A_26, %dma_wait3A_39] : memref<32768x1024xf32, #tpu.memory_space<hbm>> -> memref<32x1024xf32, #tpu.memory_space<hbm>>
          tpu.wait_dma2 semaphore(%run_scoped3A : memref<!tpu.dma_semaphore, #tpu.memory_space<semaphore_mem>>) src(%arg6 : memref<32x1024xf32, #tpu.memory_space<vmem>>) dst(%dma_wait3A_40 : memref<32x1024xf32, #tpu.memory_space<hbm>>)
          tpu.yield
        }) : () -> ()
        %scan3A_34 = arith.constant 0 : i32
        scf.yield %scan3A_34 : i32
      }
      %scan3A_20 = arith.constant 4 : i32
      %scan3A_21 = arith.constant 0 : i32
      scf.yield %scan3A_21 : i32
    }
    %scan3A_6 = arith.constant 8 : i32
    return
  }
}

</mosaic_0001>

<sc_bundles>
// kernel: kernel.3.cloned.1.call-start
scs
__scs_entry_jumppad:
0x0: {  	(pc) =	sbr.rel $0x88, $3  }
0x1: {  	(tag) =	ssettag $0x0;
	lr =	simm.s32 $0x1  }
0x2: {  	[smem:$0x3F9F] =	sst lr;
	_ =	strace $0xD0000000  }
0x3: {  	_ = 	snop  }
0x4: {  	_ = 	snop  }
0x5: {  	_ = 	snop  }
0x6: {  	_ = 	snop  }
0x7: {  	_ = 	snop  }
__scs_overlays_trampoline_lowered:
0x8: {  	[smem:$0x3FAE] =	sst s0  }
0x9: {  	[smem:$0x3FAF] =	sst s1  }
0xa: {  	[smem:$0x3FB0] =	sst s2  }
0xb: {  	[smem:$0x3FB1] =	sst s3  }
0xc: {  	[smem:$0x3FB2] =	sst s4  }
0xd: {  	[smem:$0x3FB3] =	sst s5  }
0xe: {  	[smem:$0x3FB4] =	sst s6  }
0xf: {  	[smem:$0x3FB5] =	sst s7  }
0x10: {  	[smem:$0x3FB6] =	sst s8  }
0x11: {  	[smem:$0x3FB7] =	sst s9;
	s0 =	simm.s32 @!p0 $0x0  }
0x12: {  	s1 =	sld [smem:$0x3F9D];
	s0 =	simm.s32 @p0 $0x1  }
0x13: {  	[smem:$0x3FB8] =	sst s0;
	s0 =	simm.s32 @!p1 $0x0  }
0x14: {  	s2 =	sld [smem:$0x3F9C];
	s0 =	simm.s32 @p1 $0x1  }
0x15: {  	[smem:$0x3FB9] =	sst s0;
	s0 =	simm.s32 @!p2 $0x0  }
0x16: {  	s3 =	sld [smem:$0x3FDB];
	s0 =	simm.s32 @p2 $0x1  }
0x17: {  	s4 =	simm.s32 $0x1BF5;
	[smem:$0x3FBB] =	sst s0  }
0x18: {  	s0 =	sld [smem:$0x3F9E];
	_ =	swait.ge [sflag:s4], $0x0  }
0x19: {  	s7 =	sld [smem:$0x3F9F]  }
0x1a: {  	s8 =	sadd.s32 $0xFFFFE003, lr  }
0x1b: {  	s9 =	sadd.s32 $0xFFFFFEF7, lr;
	s5 =	simm.s32 $0xFFFFFFFF;
	p2 =	slt.u32 s8, $0xFFFFF086  }
0x1c: {  	p1 =	slt.u32 s9, $0xF7A;
	s5 =	simm.s32 @!p2 $0x0  }
0x1d: {  	s5 =	simm.s32 @p1 $0x1;
	p0 =	seq.s32 s7, s2  }
0x1e: {  	s7 =	smul.u32 @!p0 $0xF7A, s2;
	p2 =	seq.s32 @!p0 s5, $0x0  }
0x1f: {  	s9 =	smul.u32 $0xF7A, s1;
	s8 =	simm.s32 @!p0 $0x1BF5;
	p2 =	por !p2, p0  }
0x20: {  	[sflag:s8] =	ssyncset.s32 @!p0 $0xFFFFF086;
	s6 =	sadd.s32 @!p0 s3, s7;
	s7 =	simm.s32 @!p0 $0x108  }
0x21: {  	s3 =	sadd.s32 s3, s9;
	s6 =	sadd.s32 @!p0 $0x88, s6;
	s7 =	simm.s32 @p2 $0x1082  }
0x22: {  	[simem:s7], [sflag:s8] =	dma.local @!p0 [hbm:s6], $0xF7A  }
0x23: {  	s9 =	sor.u32 $0xD0000000, s2;
	s6 =	simm.s32 $0x108;
	_ =	swait.ge @!p0 [sflag:s8], $0x0  }
0x24: {  	s3 =	sadd.s32 $0x88, s3;
	s6 =	simm.s32 @!p1 $0x1082;
	[sflag:s4] =	ssyncset.s32 $0xFFFFF086  }
0x25: {  	[simem:s6], [sflag:s4] =	dma.local [hbm:s3], $0xF7A  }
0x26: {  	[smem:$0x3F9F] =	sst s1;
	(tag) =	ssettag s2;
	_ =	strace s9  }
0x27: {  	s1 =	sld [smem:$0x3FAF]  }
0x28: {  	s2 =	sld [smem:$0x3FB0]  }
0x29: {  	s4 =	sld [smem:$0x3FB2]  }
0x2a: {  	p0 =	seq.s32 s5, $0x0;
	s5 =	sld [smem:$0x3FB3]  }
0x2b: {  	s6 =	sld [smem:$0x3FB4]  }
0x2c: {  	s7 =	sld [smem:$0x3FB5]  }
0x2d: {  	s3 =	simm.s32 $0x108;
	s8 =	sld [smem:$0x3FB6]  }
0x2e: {  	s3 =	simm.s32 @!p0 $0x1082;
	s9 =	sld [smem:$0x3FB7]  }
0x2f: {  	lr =	sadd.s32 s0, s3;
	s0 =	sld [smem:$0x3FAE]  }
0x30: {  	s3 =	sld [smem:$0x3FB1]  }
0x31: {  	[smem:$0x3FBA] =	sst s10  }
0x32: {  	s10 =	sld [smem:$0x3FB8];
	_ =	sdelay $0x3  }
0x33: {  	p0 =	seq.s32 s10, $0x1;
	s10 =	sld [smem:$0x3FBA];
	_ =	sdelay $0x3  }
0x34: {  	[smem:$0x3FBA] =	sst s10  }
0x35: {  	s10 =	sld [smem:$0x3FB9];
	_ =	sdelay $0x3  }
0x36: {  	p1 =	seq.s32 s10, $0x1;
	s10 =	sld [smem:$0x3FBA];
	_ =	sdelay $0x3  }
0x37: {  	[smem:$0x3FBA] =	sst s10  }
0x38: {  	s10 =	sld [smem:$0x3FBB]  }
0x39: {  	_ = 	snop;
	(pc) =	sbr.ind lr, $3  }
0x3a: {  	_ = 	snop  }
0x3b: {  	_ = 	snop  }
0x3c: {  	p2 =	seq.s32 s10, $0x1;
	s10 =	sld [smem:$0x3FBA]  }
0x3d: {  	_ =	shalt  }
0x3e: {  	_ =	shalt  }
0x3f: {  	_ =	shalt  }
0x40: {  	_ =	shalt  }
0x41: {  	_ =	shalt  }
0x42: {  	_ =	shalt  }
0x43: {  	_ =	shalt  }
0x44: {  	_ =	shalt  }
0x45: {  	_ =	shalt  }
0x46: {  	_ =	shalt  }
0x47: {  	_ =	shalt  }
0x48: {  	_ =	shalt  }
0x49: {  	_ =	shalt  }
0x4a: {  	_ =	shalt  }
0x4b: {  	_ =	shalt  }
0x4c: {  	_ =	shalt  }
0x4d: {  	_ =	shalt  }
0x4e: {  	_ =	shalt  }
0x4f: {  	_ =	shalt  }
0x50: {  	_ =	shalt  }
0x51: {  	_ =	shalt  }
0x52: {  	_ =	shalt  }
0x53: {  	_ =	shalt  }
0x54: {  	_ =	shalt  }
0x55: {  	_ =	shalt  }
0x56: {  	_ =	shalt  }
0x57: {  	_ =	shalt  }
0x58: {  	_ =	shalt  }
0x59: {  	_ =	shalt  }
0x5a: {  	_ =	shalt  }
0x5b: {  	_ =	shalt  }
0x5c: {  	_ =	shalt  }
0x5d: {  	_ =	shalt  }
0x5e: {  	_ =	shalt  }
0x5f: {  	_ =	shalt  }
0x60: {  	_ =	shalt  }
0x61: {  	_ =	shalt  }
0x62: {  	_ =	shalt  }
0x63: {  	_ =	shalt  }
0x64: {  	_ =	shalt  }
0x65: {  	_ =	shalt  }
0x66: {  	_ =	shalt  }
0x67: {  	_ =	shalt  }
0x68: {  	_ =	shalt  }
0x69: {  	_ =	shalt  }
0x6a: {  	_ =	shalt  }
0x6b: {  	_ =	shalt  }
0x6c: {  	_ =	shalt  }
0x6d: {  	_ =	shalt  }
0x6e: {  	_ =	shalt  }
0x6f: {  	_ =	shalt  }
0x70: {  	_ =	shalt  }
0x71: {  	_ =	shalt  }
0x72: {  	_ =	shalt  }
0x73: {  	_ =	shalt  }
0x74: {  	_ =	shalt  }
0x75: {  	_ =	shalt  }
0x76: {  	_ =	shalt  }
0x77: {  	_ =	shalt  }
0x78: {  	_ =	shalt  }
0x79: {  	_ =	shalt  }
0x7a: {  	_ =	shalt  }
0x7b: {  	_ =	shalt  }
0x7c: {  	_ =	shalt  }
0x7d: {  	_ =	shalt  }
0x7e: {  	_ =	shalt  }
0x7f: {  	_ =	shalt  }
0x80: {  	_ =	shalt  }
0x81: {  	_ =	shalt  }
0x82: {  	_ =	shalt  }
0x83: {  	_ =	shalt  }
0x84: {  	_ =	shalt  }
0x85: {  	_ =	shalt  }
0x86: {  	_ =	shalt  }
0x87: {  	_ =	shalt  }
.Lfunc_end0:
.L_simem_size_0:
called_computation_lowered:
.L_overlay_start_0:
0x88: {  	s2 =	sld [smem:$0x3FD9]  }
0x89: {  	s3 =	sld [smem:$0x3FFE];
	_ =	sdelay $0x1  }
0x8a: {  	s1 =	srdreg.scid  }
0x8b: {  	s0 =	sand.u32 $0x1, s1  }
0x8c: {  	s18 =	sshll.u32 s0, $0xA;
	s2 =	sadd.s32 s3, s2  }
0x8d: {  	s2 =	sadd.s32 s2, s18  }
0x8e: {  	[smem:$0x3FC6] =	sst s2  }
0x8f: {  	_ = 	snop  }
0x90: {  	s2 =	sld [smem:$0x3FC9]  }
0x91: {  	s19 =	sld [smem:$0x3FC8]  }
0x92: {  	s4 =	sld [smem:$0x3FD0];
	(tm) =	ssettm $0x1  }
0x93: {  	s5 =	sld [smem:$0x3FFB];
	_ =	sdelay $0x3  }
0x94: {  	_ =	strace s5  }
0x95: {  	s5 =	sld [smem:$0x3FFC];
	_ =	sdelay $0x3  }
0x96: {  	_ =	strace s5  }
0x97: {  	s5 =	sld [smem:$0x3FFD];
	_ =	sdelay $0x3  }
0x98: {  	_ =	strace s5  }
0x99: {  	_ =	strace $0x8FFFFFFF  }
0x9a: {  	s20 =	sld [smem:$0x3FDB];
	_ =	sdelay $0x1  }
0x9b: {  	s6 =	simm.s32 $_scs_section_size  }
0x9c: {  	s7 =	simm.s32 $_size__tile_overlayer_lowered;
	s8 =	simm.s32 $_tile_overlayer_lowered  }
0x9d: {  	s23 =	simm.s32 $0x1BFF;
	s22 =	sshll.u32 s8, $0x1;
	s5 =	sadd.s32 s6, s20  }
0x9e: {  	s9 =	simm.s32 $0x0;
	s21 =	sshll.u32 s7, $0x1;
	s7 =	sadd.s32 s22, s5  }
0x9f: {  	[timem:s9], [sflag:s23] =	dma.local [hbm:s7], s21  }
0xa0: {  	_ =	swait.ge [sflag:s23], s21  }
0xa1: {  	s6 =	ssub.s32 $0x0, s21;
	[sflag:s23] =	ssyncset.done $0x0  }
0xa2: {  	[sflag:s23] =	ssyncadd.s32 s6;
	_ =	sdelay $0x1  }
0xa3: {  	s24 =	simm.s32 $0x1B8B  }
0xa4: {  	_ =	swait.ge [sflag:s24], $0x1  }
0xa5: {  	[sflag:s24] =	ssyncset.done $0x0  }
0xa6: {  	s25 =	simm.s32 $0x1B8E;
	[sflag:s24] =	ssyncadd.s32 $0xFFFFFFFF  }
0xa7: {  	s26 =	simm.s32 $execute0_lowered;
	[smem:$0x3FD2] =	sst s25  }
0xa8: {  	s6 =	sshll.u32 s26, $0x1;
	_ =	strace $0x80000046;
	[dreg:$0x1] =	wrdreg $0xFFFFFFFF  }
0xa9: {  	s28 =	simm.s32 $_size_execute0_lowered;
	s5 =	sadd.s32 s5, s6;
	[dreg:$0x0] =	wrdreg $0x0  }
0xaa: {  	s6 =	sshll.u32 s28, $0x1;
	[dreg:$0x2] =	wrdreg s5  }
0xab: {  	[dreg:$0x3] =	wrdreg s6  }
0xac: {  	[dreg:$0x4] =	wrdreg $0xC0  }
0xad: {  	_ =	task [dreg:s9], $0x5FFFF  }
0xae: {  	[dreg:$0x1] =	wrdreg $0xFFFFFFFF  }
0xaf: {  	[dreg:$0x0] =	wrdreg $0x60  }
0xb0: {  	[dreg:$0x2] =	wrdreg s2  }
0xb1: {  	[dreg:$0x3] =	wrdreg s19  }
0xb2: {  	[dreg:$0x4] =	wrdreg s4  }
0xb3: {  	[dreg:$0x5] =	wrdreg $0x9  }
0xb4: {  	_ =	task.clear_ibuf [dreg:s9], $0x6FFFF;
	_ =	strace $0x90000046  }
0xb5: {  	s29 =	simm.s32 $0x9;
	_ =	strace $0x80000048  }
0xb6: {  	_ =	swait.ge [sflag:s29], $0x1  }
0xb7: {  	[sflag:s29] =	ssyncadd.s32 $0xFFFFFFFF  }
0xb8: {  	_ =	strace $0x90000048  }
0xb9: {  	_ =	sfence  }
0xba: {  	s30 =	sld [smem:$0x0];
	_ =	sdelay $0x2  }
0xbb: {  	s31 =	sshll.u32 s1, $0xD;
	s1 =	sshrl.u32 s1, $0x2  }
0xbc: {  	s3 =	sand.u32 $0x4000, s31;
	s1 =	sadd.s32 s1, s30  }
0xbd: {  	s0 =	sor.u32 s3, s0;
	s1 =	sshll.u32 s1, $0x11  }
0xbe: {  	s0 =	sor.u32 s1, s0  }
0xbf: {  	s0 =	sadd.s32 $0x8F2B, s0  }
0xc0: {  	[sflag:s0] =	ssyncadd.remote.s32 $0x1  }
0xc1: {  	_ =	sfence.sel $0xFFFF  }
0xc2: {  	[dreg:$0x0] =	wrdreg $0xFFFFFFFF;
	(pc) =	sbr.abs _section_cstart, $3  }
0xc3: {  	[dreg:$0x1] =	wrdreg $0xFFFFFFFF  }
0xc4: {  	_ =	task.clear_ibuf [dreg:s9], $0x2FFFF;
	_ =	strace $0x9FFFFFFF  }
0xc5: {  	(tm) =	ssettm $0x7FFFFFFF  }
tec
execute0_lowered:
.L_overlay_start_1:
0x0: {  	(tag) =	ssettag $0x1  }
0x1: {  	s1 =	rddreg [dreg:$0x0]  }
0x2: {  	s2 =	rddreg [dreg:$0x1];
	s0 =	srdreg.scid  }
0x3: {  	s3 =	rddreg [dreg:$0x2];
	s5 =	simm.s32 $0x0;
	s4 =	stileid.u32  }
0x4: {  	s9 =	simm.s32 $0x8000;
	s10 =	simm.s32 $0x0;
	s6 =	sand.u32 $0x1, s0  }
0x5: {  	s13 =	simm.s32 $0x0;
	s0 =	rddreg [dreg:$0x3];
	s7 =	ssub.s32 $0x2, s6  }
0x6: {  	[smem:$0x7FF] =	sst s5;
	s31 =	sshll.u32 s4, $0x10;
	s8 =	sshrl.u32 s7, $0x1  }
0x7: {  	s6 =	sshll.u32 s6, $0xF;
	_ =	strace $0x80000047;
	s7 =	ssub.s32 s7, s8  }
0x8: {  	s6 =	sor.u32 s6, s31;
	s8 =	simm.s32 $0x1;
	s7 =	smax.u32 s7, $0x1  }
.LBB2_1:
0x9: {  	s11 =	simm.s32 $0x0  }
.LBB2_2:
0xa: {  	s12 =	sshll.u32 s11, $0xC  }
0xb: {  	s12 =	sadd.s32 s6, s12  }
0xc: {  	s14 =	sadd.s32 s2, s12  }
0xd: {  	[tilespmem:s13], [sflag:$0x1] =	stream.linear.gather [hbm4b:s14+s13], $0x8000, $0x38;
	[tilespmem:$0x10000] =	vst v63  }
0xe: {  	_ =	swait.ge [sflag:s8], $0x8000  }
0xf: {  	[sflag:s8] =	ssyncset.done $0x0  }
0x10: {  	s14 =	simm.s32 $0x0;
	[sflag:s8] =	ssyncadd.s32 $0xFFFF8000  }
.LBB2_3:
0x11: {  	s15 =	sshll.u32 s14, $0x14  }
0x12: {  	s30 =	sand.u32 $0x70, s13;
	s17 =	simm.s32 $0x0;
	s15 =	sadd.s32 s12, s15  }
0x13: {  	s18 =	sand.u32 $0x1C00, s13;
	s19 =	simm.s32 $0x0;
	s16 =	sadd.s32 s1, s15  }
0x14: {  	[tilespmem:s9], [sflag:$0x1] =	stream.linear.gather [hbm4b:s16+s13], $0x8000, $0x38;
	[tilespmem:$0x10000] =	vst v63  }
0x15: {  	s17 =	sand.u32 $0x6000, s17;
	s16 =	sor.u32 s18, s30;
	_ =	swait.ge [sflag:s8], $0x8000  }
0x16: {  	s31 =	sand.u32 $0x380, s19;
	s16 =	sor.u32 s17, s16;
	[sflag:s8] =	ssyncset.done $0x0  }
0x17: {  	s16 =	sor.u32 s31, s16;
	[sflag:s8] =	ssyncadd.s32 $0xFFFF8000  }
0x18: {  	s19 =	simm.s32 $0x0;
	s18 =	simm.s32 $0x10;
	s17 =	simm.s32 $0x1;
	v0 =	vld [tilespmem:s16+$0x0]  }
.LBB2_4:
0x19: {  	s20 =	sand.u32 $0x70, s18;
	s21 =	sshll.u32 s17, $0x4  }
0x1a: {  	s19 =	sadd.s32 $0x80, s19;
	s22 =	smov.u32 s17;
	p0 =	sne.s32 s17, $0x7FF  }
.Ltmp0:
0x1b: {  	s17 =	sadd.s32 $0x1, s17;
	s23 =	sand.u32 $0x1C00, s19;
	(pc) =	sbr.rel @p0 .LBB2_4-.Ltmp0, $4  }
0x1c: {  	s21 =	sand.u32 $0x6000, s21;
	s22 =	sshll.u32 s22, $0x1;
	s20 =	sor.u32 s23, s20  }
0x1d: {  	s22 =	sand.u32 $0x380, s22;
	s20 =	sor.u32 s21, s20;
	s21 =	sor.u32 $0x8000, s16  }
0x1e: {  	s16 =	sor.u32 s22, s20;
	[tilespmem:s21+$0x0] =	vst.add.f32.msk $0xffff, v0  }
0x1f: {  	s18 =	sadd.s32 $0x10, s18;
	v0 =	vld [tilespmem:s16+$0x0]  }
0x20: {  	_ =	sdelay $0x1  }
0x21: {  	s14 =	sadd.s32 $0x1, s14  }
0x22: {  	s16 =	sor.u32 $0x8000, s16;
	p0 =	sne.s32 s14, $0x4  }
.Ltmp1:
0x23: {  	s15 =	sadd.s32 s3, s15;
	[tilespmem:s16+$0x0] =	vst.add.f32.msk $0xffff, v0;
	(pc) =	sbr.rel @p0 .LBB2_3-.Ltmp1, $4  }
0x24: {  	[hbm4b:s15+s5] =	stream.linear.scatter [tilespmem:s9], [sflag:$0x1], $0x8000, $0x38;
	[tilespmem:$0x10000] =	vst v63  }
0x25: {  	_ =	swait.ge [sflag:s8], $0x8000  }
0x26: {  	[sflag:s8] =	ssyncset.done $0x0  }
0x27: {  	[sflag:s8] =	ssyncadd.s32 $0xFFFF8000  }
0x28: {  	s11 =	sadd.s32 $0x1, s11  }
0x29: {  	p0 =	sne.s32 s11, $0x8  }
.Ltmp2:
0x2a: {  	_ = 	snop;
	(pc) =	sbr.rel @p0 .LBB2_2-.Ltmp2, $1  }
0x2b: {  	_ =	sdelay $0x3  }
0x2c: {  	s10 =	sadd.s32 $0x1, s10  }
0x2d: {  	p0 =	sne.s32 s10, s7  }
.Ltmp3:
0x2e: {  	_ = 	snop;
	(pc) =	sbr.rel @p0 .LBB2_1-.Ltmp3, $1  }
0x2f: {  	_ =	sdelay $0x3  }
0x30: {  	_ =	sfence.sel $0x180000  }
0x31: {  	[bflag:$0x0] =	sbarrier.arrive $0xFFFF  }
0x32: {  	p0 =	sne.s32 s4, $0x0;
	_ =	strace $0x90000047  }
0x33: {  	s0 =	sadd.s32 @!p0 $0x100000, s0;
	[bflag:$0x2] =	sbarrier.arrive $0xFFFF  }
0x34: {  	[sflag:s0] =	ssyncadd.tile.s32 @!p0 $0x1;
	_ =	shalt  }
.Lfunc_end2:
_tile_overlayer_lowered:
.L_overlay_start_2:
0x35: {  	(tag) =	ssettag $0x2  }
0x36: {  	s0 =	rddreg [dreg:$0x0];
	s2 =	stileid.u32  }
0x37: {  	s1 =	rddreg [dreg:$0x1];
	p0 =	sne.s32 s2, $0x0  }
0x38: {  	s3 =	rddreg [dreg:$0x2];
	[bflag:$0x3] =	sbarrier.arrive $0xFFFF;
	s2 =	simm.s32 @!p0 $0x1C01  }
0x39: {  	[timem:s3], [sflag:s2] =	dma.local @!p0 [hbm:s0], s1  }
0x3a: {  	s0 =	simm.s32 @!p0 $0x1  }
0x3b: {  	_ =	swait.ge @!p0 [sflag:s0], s1  }
0x3c: {  	s1 =	ssub.s32 @!p0 $0x0, s1;
	[sflag:s0] =	ssyncset.done @!p0 $0x0  }
0x3d: {  	[sflag:s0] =	ssyncadd.s32 @!p0 s1  }
0x3e: {  	[bflag:$0x3] =	sbarrier.arrive $0xFFFF  }
0x3f: {  	_ =	shalt  }

</sc_bundles>
